<compile_context>
chip_gen: v7x
topology: tpu7x:2x2x1
jax: 0.10.2.dev20260603
libtpu: 0.0.44.dev20260713+nightly
codegen_flags: <defaults>
</compile_context>

<pallas_src>
import jax
import jax.numpy as jnp
from jax import lax
from jax.experimental import pallas as pl
from jax.experimental.pallas import tpu as pltpu

_B, _L, _D = 64, 577, 768
_N = _L - 1
_K = _L // 2


_RB = 4


def _rank_body(s_ref, keep_ref, vals_ref):
    col = lax.broadcasted_iota(jnp.int32, (_N, _N), 1)
    row = lax.broadcasted_iota(jnp.int32, (_N, _N), 0)
    tri = col < row
    colk = lax.broadcasted_iota(jnp.int32, (_N, _K), 1)
    rowk = lax.broadcasted_iota(jnp.int32, (_N, _K), 0)
    for k in range(_RB):
        st = s_ref[k]
        sc = st.T
        m = (st > sc) | ((st == sc) & tri)
        rank = jnp.sum(m.astype(jnp.int32), axis=1, keepdims=True)
        eq = rank == colk
        keep_ref[k] = jnp.sum(jnp.where(eq, rowk, 0), axis=0, keepdims=True)
        vals_ref[k] = jnp.sum(jnp.where(eq, sc, 0.0), axis=0, keepdims=True)


def _rank(scores):
    return pl.pallas_call(
        _rank_body,
        grid=(_B // _RB,),
        in_specs=[pl.BlockSpec((_RB, 1, _N), lambda b: (b, 0, 0))],
        out_specs=[
            pl.BlockSpec((_RB, 1, _K), lambda b: (b, 0, 0)),
            pl.BlockSpec((_RB, 1, _K), lambda b: (b, 0, 0)),
        ],
        out_shape=[
            jax.ShapeDtypeStruct((_B, 1, _K), jnp.int32),
            jax.ShapeDtypeStruct((_B, 1, _K), jnp.float32),
        ],
        compiler_params=pltpu.CompilerParams(dimension_semantics=("parallel",)),
    )(scores.reshape(_B, 1, _N))


def _cls_body(cls_ref, g_ref, out_ref):
    out_ref[...] = g_ref[...]
    out_ref[0, 0:1, :] = cls_ref[0]


def _fix_cls(cls_states, gathered):
    return pl.pallas_call(
        _cls_body,
        grid=(_B,),
        in_specs=[
            pl.BlockSpec((1, 1, _D), lambda b: (b, 0, 0)),
            pl.BlockSpec((1, 8, _D), lambda b: (b, 0, 0)),
        ],
        out_specs=[pl.BlockSpec((1, 8, _D), lambda b: (b, 0, 0))],
        out_shape=[jax.ShapeDtypeStruct((_B, _K + 1, _D), jnp.float32)],
        input_output_aliases={1: 0},
        compiler_params=pltpu.CompilerParams(dimension_semantics=("parallel",)),
    )(cls_states, gathered)[0]


def kernel(layer_idx, text_states, text_mask, image_states, image_mask,
           cross_attn, previous_keep_mask, ln_gamma, ln_beta, W, b):
    image_states_no_cls = image_states[:, 1:]
    x = image_states_no_cls
    mu = jnp.mean(x, axis=-1, keepdims=True)
    var = jnp.var(x, axis=-1, keepdims=True)
    normed = (x - mu) / jnp.sqrt(var + 1e-5) * ln_gamma + ln_beta
    logits = normed @ W + b
    token_scores = jax.nn.log_softmax(logits, axis=-1)
    scores = token_scores[:, :, 0]

    keep_idx, topk_vals = _rank(scores)
    keep_idx = keep_idx.reshape(_B, _K)
    topk_vals = topk_vals.reshape(_B, _K)

    gathered = jnp.take_along_axis(image_states_no_cls, keep_idx[:, :, None],
                                   axis=1)
    new_img_states = jnp.concatenate([image_states[:, :1], gathered], axis=1)
    new_img_mask = jnp.ones((_B, _K + 1), jnp.int32)
    return (new_img_states, new_img_mask, keep_idx, scores, topk_vals)

# --- scband reference (transcript-rebuilt; emitter-appended) ---
"""Pipeline reference for scband-token-pruner-76175539961970 (READ-ONLY COPY).

The authoritative reference and input builder live on the scoring server;
editing this copy changes nothing except your own understanding.
"""

import jax, jax.numpy as jnp
import numpy as np

KEEP_RATIO = 0.5


def setup_inputs(seed: int = 0) -> dict:
    key = jax.random.key(seed)
    ks = jax.random.split(key, 8)
    B, T, L, D, H = 64, 40, 577, 768, 12
    return {
        "layer_idx": 6,
        "text_states": jax.random.normal(ks[0], (B, T, D), dtype=jnp.float32),
        "text_mask": jnp.ones((B, T), dtype=jnp.int32),
        "image_states": jax.random.normal(ks[1], (B, L, D), dtype=jnp.float32),
        "image_mask": jnp.ones((B, L), dtype=jnp.int32),
        "cross_attn": jax.random.normal(ks[2], (B, H, T, L - 1), dtype=jnp.float32),
        "previous_keep_mask": jnp.ones((B, L - 1), dtype=jnp.float32),
        # learned params: token_predictors['6'] = LayerNorm(D) -> Linear(D, 2) -> LogSoftmax
        "ln_gamma": jnp.ones((D,), dtype=jnp.float32),
        "ln_beta": jnp.zeros((D,), dtype=jnp.float32),
        "W": jax.random.normal(ks[3], (D, 2), dtype=jnp.float32) * 0.02,
        "b": jnp.zeros((2,), dtype=jnp.float32),
    }


def reference(layer_idx, text_states, text_mask, image_states, image_mask, cross_attn, previous_keep_mask, ln_gamma, ln_beta, W, b):
    # Eval-mode path with prune_method='linear_states', ib_kl=False (deterministic top-k pruning).
    batch_size = image_states.shape[0]
    image_len = image_states.shape[1]
    image_states_no_cls = image_states[:, 1:]
    cls_states = image_states[:, :1]
    # token_predictor: LayerNorm -> Linear(D, 2) -> LogSoftmax
    x = image_states_no_cls
    mu = jnp.mean(x, axis=-1, keepdims=True)
    var = jnp.var(x, axis=-1, keepdims=True)
    normed = (x - mu) / jnp.sqrt(var + 1e-5) * ln_gamma + ln_beta
    logits = normed @ W + b
    token_scores = jax.nn.log_softmax(logits, axis=-1)
    scores = token_scores[:, :, 0]
    num_keep_tokens = int(image_len * KEEP_RATIO)  # int(577*0.5)=288
    topk_vals, keep_idx = jax.lax.top_k(scores, num_keep_tokens)
    img_states = jnp.take_along_axis(image_states_no_cls, keep_idx[:, :, None], axis=1)
    new_img_states = jnp.concatenate([cls_states, img_states], axis=1)
    new_img_mask = jnp.ones((batch_size, num_keep_tokens + 1), dtype=jnp.int32)
    # returns (new_img_states, new_img_mask, previous_keep_mask=keep_idx, layer_keep_info=(scores, topk.values))
    return (new_img_states, new_img_mask, keep_idx, scores, topk_vals)

if __name__ == "__main__":
    import jax
    _d = setup_inputs()
    print(jax.jit(kernel)(*tuple(_d.values())))

</pallas_src>

<mosaic_0001>
module attributes {stable_mosaic.version = 14 : i64} {
  func.func @_rank_body(%arg0: i32, %arg1: memref<4x1x576xf32, #tpu.memory_space<vmem>>, %arg2: memref<4x1x288xi32, #tpu.memory_space<vmem>>, %arg3: memref<4x1x288xf32, #tpu.memory_space<vmem>>) attributes {dimension_semantics = [#tpu.dimension_semantics<parallel>], iteration_bounds = array<i64: 16>, scalar_prefetch = 0 : i64, scratch_operands = 0 : i64, tpu.core_type = #tpu.core_type<tc>, window_params = [{transform_indices = @transform_0, window_bounds = array<i64: 4, 1, 576>}, {transform_indices = @transform_1, window_bounds = array<i64: 4, 1, 288>}, {transform_indices = @transform_2, window_bounds = array<i64: 4, 1, 288>}]} {
    %iota3A = tpu.iota {dimensions = array<i32: 1>} : vector<576x576xi32>
    %iota3A_0 = tpu.iota {dimensions = array<i32: 0>} : vector<576x576xi32>
    %lt3A = arith.cmpi slt, %iota3A, %iota3A_0 : vector<576x576xi32>
    %iota3A_1 = tpu.iota {dimensions = array<i32: 1>} : vector<576x288xi32>
    %iota3A_2 = tpu.iota {dimensions = array<i32: 0>} : vector<576x288xi32>
    %get3A = arith.constant 0 : index
    %get3A_3 = arith.constant 0 : index
    %get3A_4 = arith.constant 0 : index
    %get3A_5 = vector.load %arg1[%get3A, %get3A_3, %get3A_4] : memref<4x1x576xf32, #tpu.memory_space<vmem>>, vector<1x1x576xf32>
    %get3A_6 = vector.shape_cast %get3A_5 : vector<1x1x576xf32> to vector<1x576xf32>
    %transpose3A = tpu.transpose %get3A_6, [1, 0] : vector<1x576xf32> -> vector<576x1xf32>
    %gt3A = vector.broadcast %get3A_6 : vector<1x576xf32> to vector<576x576xf32>
    %gt3A_7 = vector.broadcast %transpose3A : vector<576x1xf32> to vector<576x576xf32>
    %gt3A_8 = arith.cmpf ogt, %gt3A, %gt3A_7 : vector<576x576xf32>
    %eq3A = vector.broadcast %get3A_6 : vector<1x576xf32> to vector<576x576xf32>
    %eq3A_9 = vector.broadcast %transpose3A : vector<576x1xf32> to vector<576x576xf32>
    %eq3A_10 = arith.cmpf oeq, %eq3A, %eq3A_9 : vector<576x576xf32>
    %and3A = arith.andi %eq3A_10, %lt3A : vector<576x576xi1>
    %or3A = arith.ori %gt3A_8, %and3A : vector<576x576xi1>
    %convert_element_type3A = arith.extui %or3A : vector<576x576xi1> to vector<576x576xi32>
    %reduce_sum3A = arith.constant dense<0> : vector<576xi32>
    %reduce_sum3A_11 = vector.multi_reduction <add>, %convert_element_type3A, %reduce_sum3A [1] : vector<576x576xi32> to vector<576xi32>
    %broadcast_in_dim3A = vector.shape_cast %reduce_sum3A_11 : vector<576xi32> to vector<576x1xi32>
    %eq3A_12 = vector.broadcast %broadcast_in_dim3A : vector<576x1xi32> to vector<576x288xi32>
    %eq3A_13 = arith.cmpi eq, %eq3A_12, %iota3A_1 : vector<576x288xi32>
    %jit3A = arith.constant 0 : i32
    %broadcast_in_dim3A_14 = vector.broadcast %jit3A : i32 to vector<576x288xi32>
    %select_n3A = arith.select %eq3A_13, %iota3A_2, %broadcast_in_dim3A_14 : vector<576x288xi1>, vector<576x288xi32>
    %reduce_sum3A_15 = arith.constant dense<0> : vector<288xi32>
    %reduce_sum3A_16 = vector.multi_reduction <add>, %select_n3A, %reduce_sum3A_15 [0] : vector<576x288xi32> to vector<288xi32>
    %broadcast_in_dim3A_17 = vector.shape_cast %reduce_sum3A_16 : vector<288xi32> to vector<1x288xi32>
    %swap3A = arith.constant 0 : index
    %swap3A_18 = arith.constant 0 : index
    %swap3A_19 = arith.constant 0 : index
    %swap3A_20 = vector.load %arg2[%swap3A, %swap3A_18, %swap3A_19] : memref<4x1x288xi32, #tpu.memory_space<vmem>>, vector<1x1x288xi32>
    %swap3A_21 = vector.shape_cast %swap3A_20 : vector<1x1x288xi32> to vector<1x288xi32>
    %swap3A_22 = vector.shape_cast %broadcast_in_dim3A_17 : vector<1x288xi32> to vector<1x1x288xi32>
    tpu.vector_store %arg2[%swap3A, %swap3A_18, %swap3A_19], %swap3A_22 {strides = array<i32>} : memref<4x1x288xi32, #tpu.memory_space<vmem>>, vector<1x1x288xi32>,
    %jit3A_23 = arith.constant 0.000000e+00 : f32
    %broadcast_in_dim3A_24 = vector.shape_cast %transpose3A : vector<576x1xf32> to vector<576x1xf32>
    %broadcast_in_dim3A_25 = vector.broadcast %broadcast_in_dim3A_24 : vector<576x1xf32> to vector<576x288xf32>
    %broadcast_in_dim3A_26 = vector.broadcast %jit3A_23 : f32 to vector<576x288xf32>
    %select_n3A_27 = arith.select %eq3A_13, %broadcast_in_dim3A_25, %broadcast_in_dim3A_26 : vector<576x288xi1>, vector<576x288xf32>
    %reduce_sum3A_28 = arith.constant dense<0.000000e+00> : vector<288xf32>
    %reduce_sum3A_29 = vector.multi_reduction <add>, %select_n3A_27, %reduce_sum3A_28 [0] : vector<576x288xf32> to vector<288xf32>
    %broadcast_in_dim3A_30 = vector.shape_cast %reduce_sum3A_29 : vector<288xf32> to vector<1x288xf32>
    %swap3A_31 = arith.constant 0 : index
    %swap3A_32 = arith.constant 0 : index
    %swap3A_33 = arith.constant 0 : index
    %swap3A_34 = vector.load %arg3[%swap3A_31, %swap3A_32, %swap3A_33] : memref<4x1x288xf32, #tpu.memory_space<vmem>>, vector<1x1x288xf32>
    %swap3A_35 = vector.shape_cast %swap3A_34 : vector<1x1x288xf32> to vector<1x288xf32>
    %swap3A_36 = vector.shape_cast %broadcast_in_dim3A_30 : vector<1x288xf32> to vector<1x1x288xf32>
    tpu.vector_store %arg3[%swap3A_31, %swap3A_32, %swap3A_33], %swap3A_36 {strides = array<i32>} : memref<4x1x288xf32, #tpu.memory_space<vmem>>, vector<1x1x288xf32>,
    %get3A_37 = arith.constant 1 : index
    %get3A_38 = arith.constant 0 : index
    %get3A_39 = arith.constant 0 : index
    %get3A_40 = vector.load %arg1[%get3A_37, %get3A_38, %get3A_39] : memref<4x1x576xf32, #tpu.memory_space<vmem>>, vector<1x1x576xf32>
    %get3A_41 = vector.shape_cast %get3A_40 : vector<1x1x576xf32> to vector<1x576xf32>
    %transpose3A_42 = tpu.transpose %get3A_41, [1, 0] : vector<1x576xf32> -> vector<576x1xf32>
    %gt3A_43 = vector.broadcast %get3A_41 : vector<1x576xf32> to vector<576x576xf32>
    %gt3A_44 = vector.broadcast %transpose3A_42 : vector<576x1xf32> to vector<576x576xf32>
    %gt3A_45 = arith.cmpf ogt, %gt3A_43, %gt3A_44 : vector<576x576xf32>
    %eq3A_46 = vector.broadcast %get3A_41 : vector<1x576xf32> to vector<576x576xf32>
    %eq3A_47 = vector.broadcast %transpose3A_42 : vector<576x1xf32> to vector<576x576xf32>
    %eq3A_48 = arith.cmpf oeq, %eq3A_46, %eq3A_47 : vector<576x576xf32>
    %and3A_49 = arith.andi %eq3A_48, %lt3A : vector<576x576xi1>
    %or3A_50 = arith.ori %gt3A_45, %and3A_49 : vector<576x576xi1>
    %convert_element_type3A_51 = arith.extui %or3A_50 : vector<576x576xi1> to vector<576x576xi32>
    %reduce_sum3A_52 = arith.constant dense<0> : vector<576xi32>
    %reduce_sum3A_53 = vector.multi_reduction <add>, %convert_element_type3A_51, %reduce_sum3A_52 [1] : vector<576x576xi32> to vector<576xi32>
    %broadcast_in_dim3A_54 = vector.shape_cast %reduce_sum3A_53 : vector<576xi32> to vector<576x1xi32>
    %eq3A_55 = vector.broadcast %broadcast_in_dim3A_54 : vector<576x1xi32> to vector<576x288xi32>
    %eq3A_56 = arith.cmpi eq, %eq3A_55, %iota3A_1 : vector<576x288xi32>
    %jit3A_57 = arith.constant 0 : i32
    %broadcast_in_dim3A_58 = vector.broadcast %jit3A_57 : i32 to vector<576x288xi32>
    %select_n3A_59 = arith.select %eq3A_56, %iota3A_2, %broadcast_in_dim3A_58 : vector<576x288xi1>, vector<576x288xi32>
    %reduce_sum3A_60 = arith.constant dense<0> : vector<288xi32>
    %reduce_sum3A_61 = vector.multi_reduction <add>, %select_n3A_59, %reduce_sum3A_60 [0] : vector<576x288xi32> to vector<288xi32>
    %broadcast_in_dim3A_62 = vector.shape_cast %reduce_sum3A_61 : vector<288xi32> to vector<1x288xi32>
    %swap3A_63 = arith.constant 1 : index
    %swap3A_64 = arith.constant 0 : index
    %swap3A_65 = arith.constant 0 : index
    %swap3A_66 = vector.load %arg2[%swap3A_63, %swap3A_64, %swap3A_65] : memref<4x1x288xi32, #tpu.memory_space<vmem>>, vector<1x1x288xi32>
    %swap3A_67 = vector.shape_cast %swap3A_66 : vector<1x1x288xi32> to vector<1x288xi32>
    %swap3A_68 = vector.shape_cast %broadcast_in_dim3A_62 : vector<1x288xi32> to vector<1x1x288xi32>
    tpu.vector_store %arg2[%swap3A_63, %swap3A_64, %swap3A_65], %swap3A_68 {strides = array<i32>} : memref<4x1x288xi32, #tpu.memory_space<vmem>>, vector<1x1x288xi32>,
    %jit3A_69 = arith.constant 0.000000e+00 : f32
    %broadcast_in_dim3A_70 = vector.shape_cast %transpose3A_42 : vector<576x1xf32> to vector<576x1xf32>
    %broadcast_in_dim3A_71 = vector.broadcast %broadcast_in_dim3A_70 : vector<576x1xf32> to vector<576x288xf32>
    %broadcast_in_dim3A_72 = vector.broadcast %jit3A_69 : f32 to vector<576x288xf32>
    %select_n3A_73 = arith.select %eq3A_56, %broadcast_in_dim3A_71, %broadcast_in_dim3A_72 : vector<576x288xi1>, vector<576x288xf32>
    %reduce_sum3A_74 = arith.constant dense<0.000000e+00> : vector<288xf32>
    %reduce_sum3A_75 = vector.multi_reduction <add>, %select_n3A_73, %reduce_sum3A_74 [0] : vector<576x288xf32> to vector<288xf32>
    %broadcast_in_dim3A_76 = vector.shape_cast %reduce_sum3A_75 : vector<288xf32> to vector<1x288xf32>
    %swap3A_77 = arith.constant 1 : index
    %swap3A_78 = arith.constant 0 : index
    %swap3A_79 = arith.constant 0 : index
    %swap3A_80 = vector.load %arg3[%swap3A_77, %swap3A_78, %swap3A_79] : memref<4x1x288xf32, #tpu.memory_space<vmem>>, vector<1x1x288xf32>
    %swap3A_81 = vector.shape_cast %swap3A_80 : vector<1x1x288xf32> to vector<1x288xf32>
    %swap3A_82 = vector.shape_cast %broadcast_in_dim3A_76 : vector<1x288xf32> to vector<1x1x288xf32>
    tpu.vector_store %arg3[%swap3A_77, %swap3A_78, %swap3A_79], %swap3A_82 {strides = array<i32>} : memref<4x1x288xf32, #tpu.memory_space<vmem>>, vector<1x1x288xf32>,
    %get3A_83 = arith.constant 2 : index
    %get3A_84 = arith.constant 0 : index
    %get3A_85 = arith.constant 0 : index
    %get3A_86 = vector.load %arg1[%get3A_83, %get3A_84, %get3A_85] : memref<4x1x576xf32, #tpu.memory_space<vmem>>, vector<1x1x576xf32>
    %get3A_87 = vector.shape_cast %get3A_86 : vector<1x1x576xf32> to vector<1x576xf32>
    %transpose3A_88 = tpu.transpose %get3A_87, [1, 0] : vector<1x576xf32> -> vector<576x1xf32>
    %gt3A_89 = vector.broadcast %get3A_87 : vector<1x576xf32> to vector<576x576xf32>
    %gt3A_90 = vector.broadcast %transpose3A_88 : vector<576x1xf32> to vector<576x576xf32>
    %gt3A_91 = arith.cmpf ogt, %gt3A_89, %gt3A_90 : vector<576x576xf32>
    %eq3A_92 = vector.broadcast %get3A_87 : vector<1x576xf32> to vector<576x576xf32>
    %eq3A_93 = vector.broadcast %transpose3A_88 : vector<576x1xf32> to vector<576x576xf32>
    %eq3A_94 = arith.cmpf oeq, %eq3A_92, %eq3A_93 : vector<576x576xf32>
    %and3A_95 = arith.andi %eq3A_94, %lt3A : vector<576x576xi1>
    %or3A_96 = arith.ori %gt3A_91, %and3A_95 : vector<576x576xi1>
    %convert_element_type3A_97 = arith.extui %or3A_96 : vector<576x576xi1> to vector<576x576xi32>
    %reduce_sum3A_98 = arith.constant dense<0> : vector<576xi32>
    %reduce_sum3A_99 = vector.multi_reduction <add>, %convert_element_type3A_97, %reduce_sum3A_98 [1] : vector<576x576xi32> to vector<576xi32>
    %broadcast_in_dim3A_100 = vector.shape_cast %reduce_sum3A_99 : vector<576xi32> to vector<576x1xi32>
    %eq3A_101 = vector.broadcast %broadcast_in_dim3A_100 : vector<576x1xi32> to vector<576x288xi32>
    %eq3A_102 = arith.cmpi eq, %eq3A_101, %iota3A_1 : vector<576x288xi32>
    %jit3A_103 = arith.constant 0 : i32
    %broadcast_in_dim3A_104 = vector.broadcast %jit3A_103 : i32 to vector<576x288xi32>
    %select_n3A_105 = arith.select %eq3A_102, %iota3A_2, %broadcast_in_dim3A_104 : vector<576x288xi1>, vector<576x288xi32>
    %reduce_sum3A_106 = arith.constant dense<0> : vector<288xi32>
    %reduce_sum3A_107 = vector.multi_reduction <add>, %select_n3A_105, %reduce_sum3A_106 [0] : vector<576x288xi32> to vector<288xi32>
    %broadcast_in_dim3A_108 = vector.shape_cast %reduce_sum3A_107 : vector<288xi32> to vector<1x288xi32>
    %swap3A_109 = arith.constant 2 : index
    %swap3A_110 = arith.constant 0 : index
    %swap3A_111 = arith.constant 0 : index
    %swap3A_112 = vector.load %arg2[%swap3A_109, %swap3A_110, %swap3A_111] : memref<4x1x288xi32, #tpu.memory_space<vmem>>, vector<1x1x288xi32>
    %swap3A_113 = vector.shape_cast %swap3A_112 : vector<1x1x288xi32> to vector<1x288xi32>
    %swap3A_114 = vector.shape_cast %broadcast_in_dim3A_108 : vector<1x288xi32> to vector<1x1x288xi32>
    tpu.vector_store %arg2[%swap3A_109, %swap3A_110, %swap3A_111], %swap3A_114 {strides = array<i32>} : memref<4x1x288xi32, #tpu.memory_space<vmem>>, vector<1x1x288xi32>,
    %jit3A_115 = arith.constant 0.000000e+00 : f32
    %broadcast_in_dim3A_116 = vector.shape_cast %transpose3A_88 : vector<576x1xf32> to vector<576x1xf32>
    %broadcast_in_dim3A_117 = vector.broadcast %broadcast_in_dim3A_116 : vector<576x1xf32> to vector<576x288xf32>
    %broadcast_in_dim3A_118 = vector.broadcast %jit3A_115 : f32 to vector<576x288xf32>
    %select_n3A_119 = arith.select %eq3A_102, %broadcast_in_dim3A_117, %broadcast_in_dim3A_118 : vector<576x288xi1>, vector<576x288xf32>
    %reduce_sum3A_120 = arith.constant dense<0.000000e+00> : vector<288xf32>
    %reduce_sum3A_121 = vector.multi_reduction <add>, %select_n3A_119, %reduce_sum3A_120 [0] : vector<576x288xf32> to vector<288xf32>
    %broadcast_in_dim3A_122 = vector.shape_cast %reduce_sum3A_121 : vector<288xf32> to vector<1x288xf32>
    %swap3A_123 = arith.constant 2 : index
    %swap3A_124 = arith.constant 0 : index
    %swap3A_125 = arith.constant 0 : index
    %swap3A_126 = vector.load %arg3[%swap3A_123, %swap3A_124, %swap3A_125] : memref<4x1x288xf32, #tpu.memory_space<vmem>>, vector<1x1x288xf32>
    %swap3A_127 = vector.shape_cast %swap3A_126 : vector<1x1x288xf32> to vector<1x288xf32>
    %swap3A_128 = vector.shape_cast %broadcast_in_dim3A_122 : vector<1x288xf32> to vector<1x1x288xf32>
    tpu.vector_store %arg3[%swap3A_123, %swap3A_124, %swap3A_125], %swap3A_128 {strides = array<i32>} : memref<4x1x288xf32, #tpu.memory_space<vmem>>, vector<1x1x288xf32>,
    %get3A_129 = arith.constant 3 : index
    %get3A_130 = arith.constant 0 : index
    %get3A_131 = arith.constant 0 : index
    %get3A_132 = vector.load %arg1[%get3A_129, %get3A_130, %get3A_131] : memref<4x1x576xf32, #tpu.memory_space<vmem>>, vector<1x1x576xf32>
    %get3A_133 = vector.shape_cast %get3A_132 : vector<1x1x576xf32> to vector<1x576xf32>
    %transpose3A_134 = tpu.transpose %get3A_133, [1, 0] : vector<1x576xf32> -> vector<576x1xf32>
    %gt3A_135 = vector.broadcast %get3A_133 : vector<1x576xf32> to vector<576x576xf32>
    %gt3A_136 = vector.broadcast %transpose3A_134 : vector<576x1xf32> to vector<576x576xf32>
    %gt3A_137 = arith.cmpf ogt, %gt3A_135, %gt3A_136 : vector<576x576xf32>
    %eq3A_138 = vector.broadcast %get3A_133 : vector<1x576xf32> to vector<576x576xf32>
    %eq3A_139 = vector.broadcast %transpose3A_134 : vector<576x1xf32> to vector<576x576xf32>
    %eq3A_140 = arith.cmpf oeq, %eq3A_138, %eq3A_139 : vector<576x576xf32>
    %and3A_141 = arith.andi %eq3A_140, %lt3A : vector<576x576xi1>
    %or3A_142 = arith.ori %gt3A_137, %and3A_141 : vector<576x576xi1>
    %convert_element_type3A_143 = arith.extui %or3A_142 : vector<576x576xi1> to vector<576x576xi32>
    %reduce_sum3A_144 = arith.constant dense<0> : vector<576xi32>
    %reduce_sum3A_145 = vector.multi_reduction <add>, %convert_element_type3A_143, %reduce_sum3A_144 [1] : vector<576x576xi32> to vector<576xi32>
    %broadcast_in_dim3A_146 = vector.shape_cast %reduce_sum3A_145 : vector<576xi32> to vector<576x1xi32>
    %eq3A_147 = vector.broadcast %broadcast_in_dim3A_146 : vector<576x1xi32> to vector<576x288xi32>
    %eq3A_148 = arith.cmpi eq, %eq3A_147, %iota3A_1 : vector<576x288xi32>
    %jit3A_149 = arith.constant 0 : i32
    %broadcast_in_dim3A_150 = vector.broadcast %jit3A_149 : i32 to vector<576x288xi32>
    %select_n3A_151 = arith.select %eq3A_148, %iota3A_2, %broadcast_in_dim3A_150 : vector<576x288xi1>, vector<576x288xi32>
    %reduce_sum3A_152 = arith.constant dense<0> : vector<288xi32>
    %reduce_sum3A_153 = vector.multi_reduction <add>, %select_n3A_151, %reduce_sum3A_152 [0] : vector<576x288xi32> to vector<288xi32>
    %broadcast_in_dim3A_154 = vector.shape_cast %reduce_sum3A_153 : vector<288xi32> to vector<1x288xi32>
    %swap3A_155 = arith.constant 3 : index
    %swap3A_156 = arith.constant 0 : index
    %swap3A_157 = arith.constant 0 : index
    %swap3A_158 = vector.load %arg2[%swap3A_155, %swap3A_156, %swap3A_157] : memref<4x1x288xi32, #tpu.memory_space<vmem>>, vector<1x1x288xi32>
    %swap3A_159 = vector.shape_cast %swap3A_158 : vector<1x1x288xi32> to vector<1x288xi32>
    %swap3A_160 = vector.shape_cast %broadcast_in_dim3A_154 : vector<1x288xi32> to vector<1x1x288xi32>
    tpu.vector_store %arg2[%swap3A_155, %swap3A_156, %swap3A_157], %swap3A_160 {strides = array<i32>} : memref<4x1x288xi32, #tpu.memory_space<vmem>>, vector<1x1x288xi32>,
    %jit3A_161 = arith.constant 0.000000e+00 : f32
    %broadcast_in_dim3A_162 = vector.shape_cast %transpose3A_134 : vector<576x1xf32> to vector<576x1xf32>
    %broadcast_in_dim3A_163 = vector.broadcast %broadcast_in_dim3A_162 : vector<576x1xf32> to vector<576x288xf32>
    %broadcast_in_dim3A_164 = vector.broadcast %jit3A_161 : f32 to vector<576x288xf32>
    %select_n3A_165 = arith.select %eq3A_148, %broadcast_in_dim3A_163, %broadcast_in_dim3A_164 : vector<576x288xi1>, vector<576x288xf32>
    %reduce_sum3A_166 = arith.constant dense<0.000000e+00> : vector<288xf32>
    %reduce_sum3A_167 = vector.multi_reduction <add>, %select_n3A_165, %reduce_sum3A_166 [0] : vector<576x288xf32> to vector<288xf32>
    %broadcast_in_dim3A_168 = vector.shape_cast %reduce_sum3A_167 : vector<288xf32> to vector<1x288xf32>
    %swap3A_169 = arith.constant 3 : index
    %swap3A_170 = arith.constant 0 : index
    %swap3A_171 = arith.constant 0 : index
    %swap3A_172 = vector.load %arg3[%swap3A_169, %swap3A_170, %swap3A_171] : memref<4x1x288xf32, #tpu.memory_space<vmem>>, vector<1x1x288xf32>
    %swap3A_173 = vector.shape_cast %swap3A_172 : vector<1x1x288xf32> to vector<1x288xf32>
    %swap3A_174 = vector.shape_cast %broadcast_in_dim3A_168 : vector<1x288xf32> to vector<1x1x288xf32>
    tpu.vector_store %arg3[%swap3A_169, %swap3A_170, %swap3A_171], %swap3A_174 {strides = array<i32>} : memref<4x1x288xf32, #tpu.memory_space<vmem>>, vector<1x1x288xf32>,
    return
  }
  func.func @transform_0(%arg0: i32) -> (i32, i32, i32) {
    %c0_i32 = arith.constant 0 : i32
    %c0_i32_0 = arith.constant 0 : i32
    %c0_i32_1 = arith.constant 0 : i32
    return %arg0, %c0_i32, %c0_i32_0 : i32, i32, i32
  }
  func.func @transform_1(%arg0: i32) -> (i32, i32, i32) {
    %c0_i32 = arith.constant 0 : i32
    %c0_i32_0 = arith.constant 0 : i32
    %c0_i32_1 = arith.constant 0 : i32
    return %arg0, %c0_i32, %c0_i32_0 : i32, i32, i32
  }
  func.func @transform_2(%arg0: i32) -> (i32, i32, i32) {
    %c0_i32 = arith.constant 0 : i32
    %c0_i32_0 = arith.constant 0 : i32
    %c0_i32_1 = arith.constant 0 : i32
    return %arg0, %c0_i32, %c0_i32_0 : i32, i32, i32
  }
}

</mosaic_0001>

<sc_bundles>
// kernel: gather_offload_async_start
scs
__scs_entry_jumppad:
0x0: {  	(pc) =	sbr.rel $0x88, $3  }
0x1: {  	(tag) =	ssettag $0x0;
	lr =	simm.s32 $0x1  }
0x2: {  	[smem:$0x3F9C] =	sst lr;
	_ =	strace $0xD0000000  }
0x3: {  	_ = 	snop  }
0x4: {  	_ = 	snop  }
0x5: {  	_ = 	snop  }
0x6: {  	_ = 	snop  }
0x7: {  	_ = 	snop  }
__scs_overlays_trampoline_lowered:
0x8: {  	[smem:$0x3FAB] =	sst s0  }
0x9: {  	[smem:$0x3FAC] =	sst s1  }
0xa: {  	[smem:$0x3FAD] =	sst s2  }
0xb: {  	[smem:$0x3FAE] =	sst s3  }
0xc: {  	[smem:$0x3FAF] =	sst s4  }
0xd: {  	[smem:$0x3FB0] =	sst s5  }
0xe: {  	[smem:$0x3FB1] =	sst s6  }
0xf: {  	[smem:$0x3FB2] =	sst s7  }
0x10: {  	[smem:$0x3FB3] =	sst s8  }
0x11: {  	[smem:$0x3FB4] =	sst s9;
	s0 =	simm.s32 @!p0 $0x0  }
0x12: {  	s1 =	sld [smem:$0x3F9A];
	s0 =	simm.s32 @p0 $0x1  }
0x13: {  	[smem:$0x3FB5] =	sst s0;
	s0 =	simm.s32 @!p1 $0x0  }
0x14: {  	s2 =	sld [smem:$0x3F99];
	s0 =	simm.s32 @p1 $0x1  }
0x15: {  	[smem:$0x3FB6] =	sst s0;
	s0 =	simm.s32 @!p2 $0x0  }
0x16: {  	s3 =	sld [smem:$0x3FDB];
	s0 =	simm.s32 @p2 $0x1  }
0x17: {  	s4 =	simm.s32 $0x1BF5;
	[smem:$0x3FB8] =	sst s0  }
0x18: {  	s0 =	sld [smem:$0x3F9B];
	_ =	swait.ge [sflag:s4], $0x0  }
0x19: {  	s7 =	sld [smem:$0x3F9C]  }
0x1a: {  	s8 =	sadd.s32 $0xFFFFE003, lr  }
0x1b: {  	s9 =	sadd.s32 $0xFFFFFEF7, lr;
	s5 =	simm.s32 $0xFFFFFFFF;
	p2 =	slt.u32 s8, $0xFFFFF086  }
0x1c: {  	p1 =	slt.u32 s9, $0xF7A;
	s5 =	simm.s32 @!p2 $0x0  }
0x1d: {  	s5 =	simm.s32 @p1 $0x1;
	p0 =	seq.s32 s7, s2  }
0x1e: {  	s7 =	smul.u32 @!p0 $0xF7A, s2;
	p2 =	seq.s32 @!p0 s5, $0x0  }
0x1f: {  	s9 =	smul.u32 $0xF7A, s1;
	s8 =	simm.s32 @!p0 $0x1BF5;
	p2 =	por !p2, p0  }
0x20: {  	[sflag:s8] =	ssyncset.s32 @!p0 $0xFFFFF086;
	s6 =	sadd.s32 @!p0 s3, s7;
	s7 =	simm.s32 @!p0 $0x108  }
0x21: {  	s3 =	sadd.s32 s3, s9;
	s6 =	sadd.s32 @!p0 $0x88, s6;
	s7 =	simm.s32 @p2 $0x1082  }
0x22: {  	[simem:s7], [sflag:s8] =	dma.local @!p0 [hbm:s6], $0xF7A  }
0x23: {  	s9 =	sor.u32 $0xD0000000, s2;
	s6 =	simm.s32 $0x108;
	_ =	swait.ge @!p0 [sflag:s8], $0x0  }
0x24: {  	s3 =	sadd.s32 $0x88, s3;
	s6 =	simm.s32 @!p1 $0x1082;
	[sflag:s4] =	ssyncset.s32 $0xFFFFF086  }
0x25: {  	[simem:s6], [sflag:s4] =	dma.local [hbm:s3], $0xF7A  }
0x26: {  	[smem:$0x3F9C] =	sst s1;
	(tag) =	ssettag s2;
	_ =	strace s9  }
0x27: {  	s1 =	sld [smem:$0x3FAC]  }
0x28: {  	s2 =	sld [smem:$0x3FAD]  }
0x29: {  	s4 =	sld [smem:$0x3FAF]  }
0x2a: {  	p0 =	seq.s32 s5, $0x0;
	s5 =	sld [smem:$0x3FB0]  }
0x2b: {  	s6 =	sld [smem:$0x3FB1]  }
0x2c: {  	s7 =	sld [smem:$0x3FB2]  }
0x2d: {  	s3 =	simm.s32 $0x108;
	s8 =	sld [smem:$0x3FB3]  }
0x2e: {  	s3 =	simm.s32 @!p0 $0x1082;
	s9 =	sld [smem:$0x3FB4]  }
0x2f: {  	lr =	sadd.s32 s0, s3;
	s0 =	sld [smem:$0x3FAB]  }
0x30: {  	s3 =	sld [smem:$0x3FAE]  }
0x31: {  	[smem:$0x3FB7] =	sst s10  }
0x32: {  	s10 =	sld [smem:$0x3FB5];
	_ =	sdelay $0x3  }
0x33: {  	p0 =	seq.s32 s10, $0x1;
	s10 =	sld [smem:$0x3FB7];
	_ =	sdelay $0x3  }
0x34: {  	[smem:$0x3FB7] =	sst s10  }
0x35: {  	s10 =	sld [smem:$0x3FB6];
	_ =	sdelay $0x3  }
0x36: {  	p1 =	seq.s32 s10, $0x1;
	s10 =	sld [smem:$0x3FB7];
	_ =	sdelay $0x3  }
0x37: {  	[smem:$0x3FB7] =	sst s10  }
0x38: {  	s10 =	sld [smem:$0x3FB8]  }
0x39: {  	_ = 	snop;
	(pc) =	sbr.ind lr, $3  }
0x3a: {  	_ = 	snop  }
0x3b: {  	_ = 	snop  }
0x3c: {  	p2 =	seq.s32 s10, $0x1;
	s10 =	sld [smem:$0x3FB7]  }
0x3d: {  	_ =	shalt  }
0x3e: {  	_ =	shalt  }
0x3f: {  	_ =	shalt  }
0x40: {  	_ =	shalt  }
0x41: {  	_ =	shalt  }
0x42: {  	_ =	shalt  }
0x43: {  	_ =	shalt  }
0x44: {  	_ =	shalt  }
0x45: {  	_ =	shalt  }
0x46: {  	_ =	shalt  }
0x47: {  	_ =	shalt  }
0x48: {  	_ =	shalt  }
0x49: {  	_ =	shalt  }
0x4a: {  	_ =	shalt  }
0x4b: {  	_ =	shalt  }
0x4c: {  	_ =	shalt  }
0x4d: {  	_ =	shalt  }
0x4e: {  	_ =	shalt  }
0x4f: {  	_ =	shalt  }
0x50: {  	_ =	shalt  }
0x51: {  	_ =	shalt  }
0x52: {  	_ =	shalt  }
0x53: {  	_ =	shalt  }
0x54: {  	_ =	shalt  }
0x55: {  	_ =	shalt  }
0x56: {  	_ =	shalt  }
0x57: {  	_ =	shalt  }
0x58: {  	_ =	shalt  }
0x59: {  	_ =	shalt  }
0x5a: {  	_ =	shalt  }
0x5b: {  	_ =	shalt  }
0x5c: {  	_ =	shalt  }
0x5d: {  	_ =	shalt  }
0x5e: {  	_ =	shalt  }
0x5f: {  	_ =	shalt  }
0x60: {  	_ =	shalt  }
0x61: {  	_ =	shalt  }
0x62: {  	_ =	shalt  }
0x63: {  	_ =	shalt  }
0x64: {  	_ =	shalt  }
0x65: {  	_ =	shalt  }
0x66: {  	_ =	shalt  }
0x67: {  	_ =	shalt  }
0x68: {  	_ =	shalt  }
0x69: {  	_ =	shalt  }
0x6a: {  	_ =	shalt  }
0x6b: {  	_ =	shalt  }
0x6c: {  	_ =	shalt  }
0x6d: {  	_ =	shalt  }
0x6e: {  	_ =	shalt  }
0x6f: {  	_ =	shalt  }
0x70: {  	_ =	shalt  }
0x71: {  	_ =	shalt  }
0x72: {  	_ =	shalt  }
0x73: {  	_ =	shalt  }
0x74: {  	_ =	shalt  }
0x75: {  	_ =	shalt  }
0x76: {  	_ =	shalt  }
0x77: {  	_ =	shalt  }
0x78: {  	_ =	shalt  }
0x79: {  	_ =	shalt  }
0x7a: {  	_ =	shalt  }
0x7b: {  	_ =	shalt  }
0x7c: {  	_ =	shalt  }
0x7d: {  	_ =	shalt  }
0x7e: {  	_ =	shalt  }
0x7f: {  	_ =	shalt  }
0x80: {  	_ =	shalt  }
0x81: {  	_ =	shalt  }
0x82: {  	_ =	shalt  }
0x83: {  	_ =	shalt  }
0x84: {  	_ =	shalt  }
0x85: {  	_ =	shalt  }
0x86: {  	_ =	shalt  }
0x87: {  	_ =	shalt  }
.Lfunc_end0:
.L_simem_size_0:
called_computation_lowered:
.L_overlay_start_0:
0x88: {  	s2 =	sld [smem:$0x3FD9]  }
0x89: {  	s3 =	sld [smem:$0x3FFE];
	_ =	sdelay $0x1  }
0x8a: {  	s1 =	srdreg.scid  }
0x8b: {  	s0 =	sand.u32 $0x1, s1  }
0x8c: {  	s14 =	sshll.u32 s0, $0xA;
	s2 =	sadd.s32 s3, s2  }
0x8d: {  	s2 =	sadd.s32 s2, s14  }
0x8e: {  	[smem:$0x3FC3] =	sst s2  }
0x8f: {  	_ = 	snop  }
0x90: {  	s2 =	sld [smem:$0x3FD0];
	_ =	sdelay $0x2  }
0x91: {  	s15 =	simm.s32 $0xA;
	s4 =	simm.s32 $0x10  }
0x92: {  	[smem:s4], [sflag:s15] =	dma.local [hbm:s2], $0x1  }
0x93: {  	_ =	swait.eq [sflag:s15], $0x1  }
0x94: {  	[sflag:s15] =	ssyncset.done $0x0  }
0x95: {  	[sflag:s15] =	ssyncadd.s32 $0xFFFFFFFF  }
0x96: {  	s16 =	sld [smem:$0x10];
	(tm) =	ssettm $0x1  }
0x97: {  	s17 =	sld [smem:$0x3FFB];
	_ =	sdelay $0x3  }
0x98: {  	_ =	strace s17  }
0x99: {  	s3 =	sld [smem:$0x3FFC];
	_ =	sdelay $0x3  }
0x9a: {  	_ =	strace s3  }
0x9b: {  	s3 =	sld [smem:$0x3FFD];
	_ =	sdelay $0x3  }
0x9c: {  	_ =	strace s3  }
0x9d: {  	_ =	strace $0x8FFFFFFF  }
0x9e: {  	s18 =	sld [smem:$0x3FDB];
	_ =	sdelay $0x1  }
0x9f: {  	s19 =	simm.s32 $_scs_section_size  }
0xa0: {  	s5 =	simm.s32 $_size__tile_overlayer_lowered;
	s6 =	simm.s32 $_tile_overlayer_lowered  }
0xa1: {  	s22 =	simm.s32 $0x1BFF;
	s21 =	sshll.u32 s6, $0x1;
	s3 =	sadd.s32 s19, s18  }
0xa2: {  	s7 =	simm.s32 $0x0;
	s20 =	sshll.u32 s5, $0x1;
	s5 =	sadd.s32 s21, s3  }
0xa3: {  	[timem:s7], [sflag:s22] =	dma.local [hbm:s5], s20  }
0xa4: {  	_ =	swait.ge [sflag:s22], s20  }
0xa5: {  	s4 =	ssub.s32 $0x0, s20;
	[sflag:s22] =	ssyncset.done $0x0  }
0xa6: {  	[sflag:s22] =	ssyncadd.s32 s4;
	_ =	sdelay $0x1  }
0xa7: {  	s23 =	simm.s32 $0x1B8B  }
0xa8: {  	_ =	swait.ge [sflag:s23], $0x1  }
0xa9: {  	[sflag:s23] =	ssyncset.done $0x0  }
0xaa: {  	s25 =	simm.s32 $0x1B8E;
	s24 =	sld [smem:$0x3FFE];
	[sflag:s23] =	ssyncadd.s32 $0xFFFFFFFF  }
0xab: {  	s26 =	simm.s32 $execute0_lowered;
	[smem:$0x3FD2] =	sst s25  }
0xac: {  	s5 =	sshll.u32 s26, $0x1;
	_ =	strace $0x80000046;
	[dreg:$0x1] =	wrdreg $0xFFFFFFFF  }
0xad: {  	s28 =	simm.s32 $_size_execute0_lowered;
	s3 =	sadd.s32 s3, s5;
	[dreg:$0x0] =	wrdreg $0x0  }
0xae: {  	s5 =	sshll.u32 s28, $0x1;
	[dreg:$0x2] =	wrdreg s3  }
0xaf: {  	[dreg:$0x3] =	wrdreg s5  }
0xb0: {  	[dreg:$0x4] =	wrdreg $0xC0  }
0xb1: {  	_ =	task [dreg:s7], $0x5FFFF  }
0xb2: {  	[dreg:$0x1] =	wrdreg $0xFFFFFFFF  }
0xb3: {  	[dreg:$0x0] =	wrdreg $0x60  }
0xb4: {  	[dreg:$0x2] =	wrdreg s24  }
0xb5: {  	[dreg:$0x3] =	wrdreg s16  }
0xb6: {  	[dreg:$0x4] =	wrdreg $0x9  }
0xb7: {  	_ =	task.clear_ibuf [dreg:s7], $0x5FFFF;
	_ =	strace $0x90000046  }
0xb8: {  	s29 =	simm.s32 $0x9;
	_ =	strace $0x80000048  }
0xb9: {  	_ =	swait.ge [sflag:s29], $0x1  }
0xba: {  	[sflag:s29] =	ssyncadd.s32 $0xFFFFFFFF  }
0xbb: {  	_ =	strace $0x90000048  }
0xbc: {  	_ =	sfence  }
0xbd: {  	s30 =	sld [smem:$0x0];
	_ =	sdelay $0x2  }
0xbe: {  	s31 =	sshll.u32 s1, $0xD;
	s1 =	sshrl.u32 s1, $0x2  }
0xbf: {  	s3 =	sand.u32 $0x4000, s31;
	s1 =	sadd.s32 s1, s30  }
0xc0: {  	s0 =	sor.u32 s3, s0;
	s1 =	sshll.u32 s1, $0x11  }
0xc1: {  	s0 =	sor.u32 s1, s0  }
0xc2: {  	s0 =	sadd.s32 $0x8F2B, s0  }
0xc3: {  	[sflag:s0] =	ssyncadd.remote.s32 $0x1  }
0xc4: {  	_ =	sfence.sel $0xFFFF  }
0xc5: {  	[dreg:$0x0] =	wrdreg $0xFFFFFFFF;
	(pc) =	sbr.abs _section_cstart, $3  }
0xc6: {  	[dreg:$0x1] =	wrdreg $0xFFFFFFFF  }
0xc7: {  	_ =	task.clear_ibuf [dreg:s7], $0x2FFFF;
	_ =	strace $0x9FFFFFFF  }
0xc8: {  	(tm) =	ssettm $0x7FFFFFFF  }
0xc9: {  	_ =	shalt  }
tec
execute0_lowered:
.L_overlay_start_1:
0x0: {  	(tag) =	ssettag $0x1  }
0x1: {  	s7 =	rddreg [dreg:$0x0]  }
0x2: {  	s0 =	srdreg.scid;
	s2 =	rddreg [dreg:$0x1]  }
0x3: {  	s1 =	stileid.u32;
	s5 =	simm.s32 $0x2;
	s9 =	simm.s32 $0x3  }
0x4: {  	s3 =	sshll.u32 s0, $0x4;
	s0 =	rddreg [dreg:$0x2];
	_ =	strace $0x80000047  }
.Ltmp0:
0x5: {  	s4 =	sand.u32 $0x10, s3;
	s3 =	simm.s32 $0x1;
	(pc) =	sbr.rel .LBB2_1-.Ltmp0, $4  }
0x6: {  	s11 =	simm.s32 $0x0;
	s4 =	sor.u32 s1, s4;
	[sflag:s3] =	ssyncpa.u1 $0x0  }
0x7: {  	p0 =	por $0x0, $0x0;
	s4 =	smul.u32 $0x240, s4;
	[sflag:s5] =	ssyncpa.u1 $0x0  }
0x8: {  	s6 =	sadd.s32 $0x360600, s7;
	s7 =	sadd.s32 $0x1A00, s7;
	[sflag:s9] =	ssyncpa.u1 $0x0  }
0x9: {  	vm0 =	vmmov $0xff;
	vm1 =	vcmask $0x3F20;
	s9 =	simm.s32 $0x0;
	s8 =	sadd.s32 $0x240, s4;
	s10 =	smov.u32 s4  }
.LBB2_9:
0xa: {  	p1 =	slt.u32 s9, $0x2;
	s11 =	sadd.s32 $0x40, s10  }
0xb: {  	s13 =	smov.u32 s4;
	s9 =	sadd.s32 $0x1, s9;
	p2 =	slt.s32 s11, s8  }
0xc: {  	s13 =	smov.u32 @p2 s11;
	p2 =	sne.s32 s9, $0xB  }
.Ltmp1:
0xd: {  	_ = 	snop;
	(pc) =	sbr.rel @!p2 .LBB2_10-.Ltmp1, $4  }
0xe: {  	s12 =	simm.s32 @!p1 $0x3  }
0xf: {  	_ =	swait.ge @!p1 [sflag:s12], $0xC000  }
0x10: {  	p0 =	por !p0, !p0;
	[sflag:s12] =	ssyncset.done @!p1 $0x0  }
0x11: {  	s11 =	smov.u32 s10;
	s10 =	smov.u32 s13;
	[sflag:s12] =	ssyncadd.s32 @!p1 $0xFFFF4000  }
.LBB2_1:
0x12: {  	p1 =	sgt.u32 s9, $0x8  }
0x13: {  	s12 =	sxor.u32 @!p1 $0xFFFFFFFF, s9  }
0x14: {  	s31 =	sadd.s32 $0xFFFFFFFF, s9;
	s13 =	sshrl.u32 @!p1 s10, $0x3;
	s12 =	sshll.u32 @!p1 s12, $0x6  }
0x15: {  	s14 =	sand.u32 @!p1 $0x7, s10;
	s13 =	sadd.s32 @!p1 s7, s13;
	s12 =	sand.u32 @!p1 $0x40, s12  }
0x16: {  	[tilespmem:s12], [sflag:$0x2] =	stream.linear.gather @!p1 [hbm4b:s13+s14], $0x40, $0x38;
	[tilespmem:$0x18080] =	vst v63  }
0x17: {  	p1 =	sgt.u32 s31, $0x8  }
.Ltmp2:
0x18: {  	_ = 	snop;
	(pc) =	sbr.rel @p1 .LBB2_9-.Ltmp2, $1  }
0x19: {  	_ =	sdelay $0x3  }
0x1a: {  	s12 =	simm.s32 $0x1  }
0x1b: {  	s12 =	simm.s32 @!p0 $0x0  }
0x1c: {  	s12 =	smul.u32 $0x30000, s12;
	_ =	sdelay $0x1  }
0x1d: {  	_ =	swait.ge [sflag:s5], $0x40;
	s13 =	sand.u32 $0x1, s9;
	s12 =	sshrl.u32 s12, $0x2  }
0x1e: {  	s14 =	simm.s32 $0x0;
	[sflag:s5] =	ssyncset.done $0x0;
	s12 =	sor.u32 $0x80, s12  }
0x1f: {  	s13 =	sshll.u32 s13, $0x6;
	[sflag:s5] =	ssyncadd.s32 $0xFFFFFFC0;
	s15 =	smov.u32 s12  }
.LBB2_3:
0x20: {  	s16 =	sshll.u32 s14, $0x4  }
0x21: {  	s16 =	sand.u32 $0x3FFFFFF0, s16  }
0x22: {  	s16 =	sadd.s32 s16, s13  }
0x23: {  	v0 =	vld.msk [tilespmem:s16+$0x0 ss:$0x1], $0xffff;
	_ =	sdelay $0x4  }
0x24: {  	v1 =	vshrl.u32 v0, $0x6  }
0x25: {  	vm2 =	veq.s32 v0, $0x80000000;
	v1 =	vand.u32 $0x3FF, v1  }
0x26: {  	v0 =	vand.u32 $0x3F, v0;
	v1 =	vsel vm2, $0xFFFFFFFF, v1  }
0x27: {  	v0 =	vmul.u32 $0x6C000, v0;
	v2 =	vshrl.u32 v1, $0x3  }
0x28: {  	v2 =	vmul.u32 $0x1800, v2  }
0x29: {  	v0 =	vsel vm2, $0xFFF94000, v0;
	v1 =	vshll.u32 v1, $0x7  }
0x2a: {  	v1 =	vand.u32 $0x380, v1;
	v0 =	vadd.s32 v0, v2  }
0x2b: {  	v0 =	vor.u32 v1, v0  }
0x2c: {  	v0 =	vshrl.u32 v0, $0x3;
	_ =	sdelay $0x3  }
0x2d: {  	s17 =	sadd.s32 $0x0, s15  }
0x2e: {  	[tilespmem:s17], [sflag:$0x1] =	stream.indirect_vreg.gather [hbm:s6], $0x80, v0, vm0, $0x38;
	[tilespmem:$0x18080] =	vst v63  }
0x2f: {  	s16 =	simm.s32 $0x1000;
	v1 =	vadd.s32 $0x80, v0;
	s17 =	sadd.s32 $0x1800, s17  }
.LBB2_4:
0x30: {  	[tilespmem:s17], [sflag:$0x1] =	stream.indirect_vreg.gather [hbm:s6], $0x80, v0, vm1, $0x38;
	[tilespmem:$0x18080] =	vst v63  }
0x31: {  	v0 =	vmov v1;
	s17 =	smov.u32 s16;
	p1 =	sne.s32 s16, $0x5000  }
.Ltmp3:
0x32: {  	s16 =	sadd.s32 $0x1000, s16;
	(pc) =	sbr.rel @p1 .LBB2_4-.Ltmp3, $4  }
0x33: {  	s17 =	sshra.s32 s17, $0x2  }
0x34: {  	s17 =	sadd.s32 s17, s15  }
0x35: {  	[tilespmem:s17], [sflag:$0x1] =	stream.indirect_vreg.gather [hbm:s6], $0x80, v1, vm0, $0x38;
	[tilespmem:$0x18080] =	vst v63  }
0x36: {  	s17 =	sadd.s32 $0x1800, s17;
	v1 =	vadd.s32 $0x80, v1  }
0x37: {  	s14 =	sadd.s32 $0x1, s14  }
0x38: {  	p1 =	sne.s32 s14, $0x4  }
.Ltmp4:
0x39: {  	_ = 	snop;
	(pc) =	sbr.rel @p1 .LBB2_3-.Ltmp4, $3  }
0x3a: {  	_ =	sdelay $0x1  }
0x3b: {  	[tilespmem:s17], [sflag:$0x1] =	stream.indirect_vreg.gather [hbm:s6], $0x80, v0, vm1, $0x38;
	[tilespmem:$0x18080] =	vst v63  }
0x3c: {  	s15 =	sadd.s32 $0x3000, s15  }
0x3d: {  	s13 =	sshrl.u32 s11, $0x3  }
0x3e: {  	s13 =	smul.u32 $0x300, s13  }
0x3f: {  	s31 =	sshll.u32 s11, $0x4  }
0x40: {  	_ =	swait.ge [sflag:s3], $0xC000;
	s11 =	sand.u32 $0x70, s31;
	s13 =	sadd.s32 s13, s2  }
0x41: {  	s14 =	sadd.s32 $0x1800, s12;
	[sflag:s3] =	ssyncset.done $0x0;
	s11 =	sadd.s32 s11, s13  }
0x42: {  	[sflag:s3] =	ssyncadd.s32 $0xFFFF4000;
	s13 =	simm.s32 $0x300;
	s15 =	sadd.s32 $0x0, s11  }
.LBB2_7:
0x43: {  	[hbm:s15] =	stream.linear.scatter [tilespmem:s12], [sflag:$0x3], $0x1800, $0x38;
	[tilespmem:$0x18080] =	vst v63  }
0x44: {  	s15 =	smov.u32 s13;
	s12 =	smov.u32 s14;
	p1 =	sne.s32 s13, $0x1500  }
.Ltmp5:
0x45: {  	s13 =	sadd.s32 $0x300, s13;
	(pc) =	sbr.rel @p1 .LBB2_7-.Ltmp5, $2  }
0x46: {  	_ =	sdelay $0x2  }
0x47: {  	s14 =	sadd.s32 $0x1800, s14;
	s15 =	sadd.s32 s15, s11  }
.Ltmp6:
0x48: {  	(pc) =	sbr.rel .LBB2_9-.Ltmp6, $2  }
0x49: {  	_ =	sdelay $0x2  }
0x4a: {  	[hbm:s15] =	stream.linear.scatter [tilespmem:s12], [sflag:$0x3], $0x1800, $0x38;
	[tilespmem:$0x18080] =	vst v63  }
.LBB2_10:
0x4b: {  	_ =	sfence.sel $0x180000  }
0x4c: {  	s2 =	simm.s32 $0x2;
	[bflag:$0x0] =	sbarrier.arrive $0xFFFF  }
0x4d: {  	s30 =	simm.s32 $0x3;
	[sflag:s2] =	ssyncpa.u1 $0x1  }
0x4e: {  	s31 =	simm.s32 $0x1;
	[sflag:s30] =	ssyncpa.u1 $0x1  }
0x4f: {  	[sflag:s31] =	ssyncpa.u1 $0x1  }
0x50: {  	p0 =	sne.s32 s1, $0x0;
	_ =	strace $0x90000047  }
0x51: {  	s0 =	sadd.s32 @!p0 $0x100000, s0;
	[bflag:$0x2] =	sbarrier.arrive $0xFFFF  }
0x52: {  	[sflag:s0] =	ssyncadd.tile.s32 @!p0 $0x1;
	_ =	shalt  }
.Lfunc_end2:
_tile_overlayer_lowered:
.L_overlay_start_2:
0x53: {  	(tag) =	ssettag $0x2  }
0x54: {  	s0 =	rddreg [dreg:$0x0];
	s2 =	stileid.u32  }
0x55: {  	s1 =	rddreg [dreg:$0x1];
	p0 =	sne.s32 s2, $0x0  }
0x56: {  	s3 =	rddreg [dreg:$0x2];
	[bflag:$0x3] =	sbarrier.arrive $0xFFFF;
	s2 =	simm.s32 @!p0 $0x1C01  }
0x57: {  	[timem:s3], [sflag:s2] =	dma.local @!p0 [hbm:s0], s1  }
0x58: {  	s0 =	simm.s32 @!p0 $0x1  }
0x59: {  	_ =	swait.ge @!p0 [sflag:s0], s1  }
0x5a: {  	s1 =	ssub.s32 @!p0 $0x0, s1;
	[sflag:s0] =	ssyncset.done @!p0 $0x0  }
0x5b: {  	[sflag:s0] =	ssyncadd.s32 @!p0 s1  }
0x5c: {  	[bflag:$0x3] =	sbarrier.arrive $0xFFFF  }
0x5d: {  	_ =	shalt  }

</sc_bundles>
